<compile_context>
chip_gen: v7x
topology: tpu7x:2x2x1
jax: 0.10.2.dev20260603
libtpu: 0.0.44.dev20260713+nightly
codegen_flags: <defaults>
</compile_context>

<pallas_src>
import functools

import jax
import jax.numpy as jnp
from jax import lax
from jax.experimental import pallas as pl
from jax.experimental.pallas import tpu as pltpu
from jax.experimental.pallas import tpu_sc as plsc

_NVEC1 = 1000
_CHUNK = 128


def kernel(xs, embed_weight):
    B = xs.shape[0]
    info = plsc.get_sparse_core_info()
    NC, NS, L = info.num_cores, info.num_subcores, info.num_lanes
    NW = NC * NS
    bpw = B // NW
    nchunk = bpw // _CHUNK
    gpc = _CHUNK // L

    mesh = plsc.VectorSubcoreMesh(core_axis_name="c", subcore_axis_name="s")

    @functools.partial(
        pl.kernel,
        mesh=mesh,
        out_type=jax.ShapeDtypeStruct((B,), jnp.float32),
        scratch_types=[
            pltpu.VMEM((2 * bpw,), jnp.int32),
            pltpu.VMEM((bpw,), jnp.int32),
            pltpu.VMEM((bpw,), jnp.float32),
            pltpu.SemaphoreType.DMA,
        ],
    )
    def _gather(xsf_hbm, tbl_hbm, out_hbm, xs_v, idx_v, vals_v, gsem):
        wid = lax.axis_index("s") * NC + lax.axis_index("c")
        base = wid * bpw
        pltpu.sync_copy(xsf_hbm.at[pl.ds(2 * base, 2 * bpw)], xs_v)
        for k in range(nchunk):
            for g in range(gpc):
                v0 = xs_v[pl.ds(2 * _CHUNK * k + L * g, L)]
                v1 = xs_v[pl.ds(2 * _CHUNK * k + _CHUNK + L * g, L)]
                idx_v[pl.ds(k * _CHUNK + L * g, L)] = v0 * _NVEC1 + v1
        pltpu.async_copy(tbl_hbm.at[idx_v], vals_v, gsem).wait()
        pltpu.sync_copy(vals_v, out_hbm.at[pl.ds(base, bpw)])

    xsf = xs.reshape(B // _CHUNK, _CHUNK, 2).transpose(0, 2, 1).reshape(2 * B)
    return _gather(xsf, embed_weight.reshape(-1))

# --- scband reference (transcript-rebuilt; emitter-appended) ---
"""Pipeline reference for scband-energy-based-distribution-84353157694121 (READ-ONLY COPY).

The authoritative reference and input builder live on the scoring server;
editing this copy changes nothing except your own understanding.
"""

import jax, jax.numpy as jnp
import numpy as np

NVEC = (1000, 1000)
NUM_SAMPLES = 16384
VOCAB = NVEC[0] * NVEC[1]


def setup_inputs(seed: int = 0) -> dict:
    key = jax.random.key(seed)
    k1, k2 = jax.random.split(key)
    # Categorical samples: (num_samples, num_vars), each column < nvec[i]
    xs = jax.random.randint(k1, (NUM_SAMPLES, 2), 0, 1000, dtype=jnp.int32)
    # Embedding table of BasicDiscetePotential: (prod(nvec), 1) logits
    embed_weight = jax.random.normal(k2, (VOCAB, 1), dtype=jnp.float32) * 0.02
    return {"xs": xs, "embed_weight": embed_weight}


def reference(xs, embed_weight):
    # EnergyBasedDistribution.energy with default idxs = [full set] and a
    # single BasicDiscetePotential over all variables.
    # ravel_multi_index over nvec=(1000, 1000):
    flat = xs[:, 0] * NVEC[1] + xs[:, 1]
    # embedding lookup -> (num_samples, 1) -> squeeze -> (num_samples,)
    logits = jnp.take(embed_weight, flat, axis=0).squeeze(-1)
    # sum over potentials (only one here)
    e = logits
    return e

if __name__ == "__main__":
    import jax
    _d = setup_inputs()
    print(jax.jit(kernel)(*tuple(_d.values())))

</pallas_src>

<mosaic_0001>
#map = affine_map<(d0, d1) -> (0)>
module attributes {stable_mosaic.version = 14 : i64} {
  func.func @_gather(%arg0: i32, %arg1: i32, %arg2: memref<32768xi32, #tpu.memory_space<hbm>>, %arg3: memref<1000000xf32, #tpu.memory_space<hbm>>, %arg4: memref<16384xf32, #tpu.memory_space<hbm>>, %arg5: memref<1024xi32, #tpu.memory_space<vmem>>, %arg6: memref<512xi32, #tpu.memory_space<vmem>>, %arg7: memref<512xf32, #tpu.memory_space<vmem>>, %arg8: memref<!tpu.dma_semaphore, #tpu.memory_space<semaphore_mem>>) attributes {dimension_semantics = [#tpu.dimension_semantics<core_parallel>, #tpu.dimension_semantics<subcore_parallel>], iteration_bounds = array<i64: 2, 16>, scalar_prefetch = 0 : i64, scratch_operands = 4 : i64, tpu.core_type = #tpu.core_type<sc_vector_subcore>, window_params = [{transform_indices = #map}, {transform_indices = #map}, {transform_indices = #map}]} {
    %mul3A = arith.constant 2 : i32
    %mul3A_0 = arith.muli %arg1, %mul3A : i32
    %add3A = arith.addi %mul3A_0, %arg0 : i32
    %mul3A_1 = arith.constant 512 : i32
    %mul3A_2 = arith.muli %add3A, %mul3A_1 : i32
    %mul3A_3 = arith.constant 2 : i32
    %mul3A_4 = arith.muli %mul3A_3, %mul3A_2 : i32
    "tpu.region"() ({
      %run_scoped3A = tpu.sem_alloc : memref<!tpu.dma_semaphore, #tpu.memory_space<semaphore_mem>>
      %dma_start3A_453 = tpu.memref_slice %arg2[%mul3A_4] : memref<32768xi32, #tpu.memory_space<hbm>> -> memref<1024xi32, #tpu.memory_space<hbm>>
      %dma_start3A_454 = tpu.memref_slice %arg2[%mul3A_4] : memref<32768xi32, #tpu.memory_space<hbm>> -> memref<1024xi32, #tpu.memory_space<hbm>>
      tpu.enqueue_dma source(%dma_start3A_454 : memref<1024xi32, #tpu.memory_space<hbm>>) target(%arg5 : memref<1024xi32, #tpu.memory_space<vmem>>) target_semaphore(%run_scoped3A : memref<!tpu.dma_semaphore, #tpu.memory_space<semaphore_mem>>)
      %dma_wait3A_455 = tpu.memref_slice %arg2[%mul3A_4] : memref<32768xi32, #tpu.memory_space<hbm>> -> memref<1024xi32, #tpu.memory_space<hbm>>
      %dma_wait3A_456 = tpu.memref_slice %arg2[%mul3A_4] : memref<32768xi32, #tpu.memory_space<hbm>> -> memref<1024xi32, #tpu.memory_space<hbm>>
      tpu.wait_dma2 semaphore(%run_scoped3A : memref<!tpu.dma_semaphore, #tpu.memory_space<semaphore_mem>>) src(%dma_wait3A_456 : memref<1024xi32, #tpu.memory_space<hbm>>) dst(%arg5 : memref<1024xi32, #tpu.memory_space<vmem>>)
      tpu.yield
    }) : () -> ()
    %get3A = arith.constant 0 : index
    %get3A_5 = tpu.vector_load %arg5[%get3A] {strides = array<i32>} : memref<1024xi32, #tpu.memory_space<vmem>>, vector<16xi32>,
    %get3A_6 = vector.shape_cast %get3A_5 : vector<16xi32> to vector<16xi32>
    %get3A_7 = arith.constant 128 : index
    %get3A_8 = tpu.vector_load %arg5[%get3A_7] {strides = array<i32>} : memref<1024xi32, #tpu.memory_space<vmem>>, vector<16xi32>,
    %get3A_9 = vector.shape_cast %get3A_8 : vector<16xi32> to vector<16xi32>
    %mul3A_10 = arith.constant 1000 : i32
    %mul3A_11 = vector.broadcast %mul3A_10 : i32 to vector<16xi32>
    %mul3A_12 = arith.muli %get3A_6, %mul3A_11 : vector<16xi32>
    %add3A_13 = arith.addi %mul3A_12, %get3A_9 : vector<16xi32>
    %swap3A = arith.constant 0 : index
    %swap3A_14 = tpu.vector_load %arg6[%swap3A] {strides = array<i32>} : memref<512xi32, #tpu.memory_space<vmem>>, vector<16xi32>,
    %swap3A_15 = vector.shape_cast %swap3A_14 : vector<16xi32> to vector<16xi32>
    %swap3A_16 = vector.shape_cast %add3A_13 : vector<16xi32> to vector<16xi32>
    tpu.vector_store %arg6[%swap3A], %swap3A_16 {strides = array<i32>} : memref<512xi32, #tpu.memory_space<vmem>>, vector<16xi32>,
    %get3A_17 = arith.constant 16 : index
    %get3A_18 = tpu.vector_load %arg5[%get3A_17] {strides = array<i32>} : memref<1024xi32, #tpu.memory_space<vmem>>, vector<16xi32>,
    %get3A_19 = vector.shape_cast %get3A_18 : vector<16xi32> to vector<16xi32>
    %get3A_20 = arith.constant 144 : index
    %get3A_21 = tpu.vector_load %arg5[%get3A_20] {strides = array<i32>} : memref<1024xi32, #tpu.memory_space<vmem>>, vector<16xi32>,
    %get3A_22 = vector.shape_cast %get3A_21 : vector<16xi32> to vector<16xi32>
    %mul3A_23 = arith.constant 1000 : i32
    %mul3A_24 = vector.broadcast %mul3A_23 : i32 to vector<16xi32>
    %mul3A_25 = arith.muli %get3A_19, %mul3A_24 : vector<16xi32>
    %add3A_26 = arith.addi %mul3A_25, %get3A_22 : vector<16xi32>
    %swap3A_27 = arith.constant 16 : index
    %swap3A_28 = tpu.vector_load %arg6[%swap3A_27] {strides = array<i32>} : memref<512xi32, #tpu.memory_space<vmem>>, vector<16xi32>,
    %swap3A_29 = vector.shape_cast %swap3A_28 : vector<16xi32> to vector<16xi32>
    %swap3A_30 = vector.shape_cast %add3A_26 : vector<16xi32> to vector<16xi32>
    tpu.vector_store %arg6[%swap3A_27], %swap3A_30 {strides = array<i32>} : memref<512xi32, #tpu.memory_space<vmem>>, vector<16xi32>,
    %get3A_31 = arith.constant 32 : index
    %get3A_32 = tpu.vector_load %arg5[%get3A_31] {strides = array<i32>} : memref<1024xi32, #tpu.memory_space<vmem>>, vector<16xi32>,
    %get3A_33 = vector.shape_cast %get3A_32 : vector<16xi32> to vector<16xi32>
    %get3A_34 = arith.constant 160 : index
    %get3A_35 = tpu.vector_load %arg5[%get3A_34] {strides = array<i32>} : memref<1024xi32, #tpu.memory_space<vmem>>, vector<16xi32>,
    %get3A_36 = vector.shape_cast %get3A_35 : vector<16xi32> to vector<16xi32>
    %mul3A_37 = arith.constant 1000 : i32
    %mul3A_38 = vector.broadcast %mul3A_37 : i32 to vector<16xi32>
    %mul3A_39 = arith.muli %get3A_33, %mul3A_38 : vector<16xi32>
    %add3A_40 = arith.addi %mul3A_39, %get3A_36 : vector<16xi32>
    %swap3A_41 = arith.constant 32 : index
    %swap3A_42 = tpu.vector_load %arg6[%swap3A_41] {strides = array<i32>} : memref<512xi32, #tpu.memory_space<vmem>>, vector<16xi32>,
    %swap3A_43 = vector.shape_cast %swap3A_42 : vector<16xi32> to vector<16xi32>
    %swap3A_44 = vector.shape_cast %add3A_40 : vector<16xi32> to vector<16xi32>
    tpu.vector_store %arg6[%swap3A_41], %swap3A_44 {strides = array<i32>} : memref<512xi32, #tpu.memory_space<vmem>>, vector<16xi32>,
    %get3A_45 = arith.constant 48 : index
    %get3A_46 = tpu.vector_load %arg5[%get3A_45] {strides = array<i32>} : memref<1024xi32, #tpu.memory_space<vmem>>, vector<16xi32>,
    %get3A_47 = vector.shape_cast %get3A_46 : vector<16xi32> to vector<16xi32>
    %get3A_48 = arith.constant 176 : index
    %get3A_49 = tpu.vector_load %arg5[%get3A_48] {strides = array<i32>} : memref<1024xi32, #tpu.memory_space<vmem>>, vector<16xi32>,
    %get3A_50 = vector.shape_cast %get3A_49 : vector<16xi32> to vector<16xi32>
    %mul3A_51 = arith.constant 1000 : i32
    %mul3A_52 = vector.broadcast %mul3A_51 : i32 to vector<16xi32>
    %mul3A_53 = arith.muli %get3A_47, %mul3A_52 : vector<16xi32>
    %add3A_54 = arith.addi %mul3A_53, %get3A_50 : vector<16xi32>
    %swap3A_55 = arith.constant 48 : index
    %swap3A_56 = tpu.vector_load %arg6[%swap3A_55] {strides = array<i32>} : memref<512xi32, #tpu.memory_space<vmem>>, vector<16xi32>,
    %swap3A_57 = vector.shape_cast %swap3A_56 : vector<16xi32> to vector<16xi32>
    %swap3A_58 = vector.shape_cast %add3A_54 : vector<16xi32> to vector<16xi32>
    tpu.vector_store %arg6[%swap3A_55], %swap3A_58 {strides = array<i32>} : memref<512xi32, #tpu.memory_space<vmem>>, vector<16xi32>,
    %get3A_59 = arith.constant 64 : index
    %get3A_60 = tpu.vector_load %arg5[%get3A_59] {strides = array<i32>} : memref<1024xi32, #tpu.memory_space<vmem>>, vector<16xi32>,
    %get3A_61 = vector.shape_cast %get3A_60 : vector<16xi32> to vector<16xi32>
    %get3A_62 = arith.constant 192 : index
    %get3A_63 = tpu.vector_load %arg5[%get3A_62] {strides = array<i32>} : memref<1024xi32, #tpu.memory_space<vmem>>, vector<16xi32>,
    %get3A_64 = vector.shape_cast %get3A_63 : vector<16xi32> to vector<16xi32>
    %mul3A_65 = arith.constant 1000 : i32
    %mul3A_66 = vector.broadcast %mul3A_65 : i32 to vector<16xi32>
    %mul3A_67 = arith.muli %get3A_61, %mul3A_66 : vector<16xi32>
    %add3A_68 = arith.addi %mul3A_67, %get3A_64 : vector<16xi32>
    %swap3A_69 = arith.constant 64 : index
    %swap3A_70 = tpu.vector_load %arg6[%swap3A_69] {strides = array<i32>} : memref<512xi32, #tpu.memory_space<vmem>>, vector<16xi32>,
    %swap3A_71 = vector.shape_cast %swap3A_70 : vector<16xi32> to vector<16xi32>
    %swap3A_72 = vector.shape_cast %add3A_68 : vector<16xi32> to vector<16xi32>
    tpu.vector_store %arg6[%swap3A_69], %swap3A_72 {strides = array<i32>} : memref<512xi32, #tpu.memory_space<vmem>>, vector<16xi32>,
    %get3A_73 = arith.constant 80 : index
    %get3A_74 = tpu.vector_load %arg5[%get3A_73] {strides = array<i32>} : memref<1024xi32, #tpu.memory_space<vmem>>, vector<16xi32>,
    %get3A_75 = vector.shape_cast %get3A_74 : vector<16xi32> to vector<16xi32>
    %get3A_76 = arith.constant 208 : index
    %get3A_77 = tpu.vector_load %arg5[%get3A_76] {strides = array<i32>} : memref<1024xi32, #tpu.memory_space<vmem>>, vector<16xi32>,
    %get3A_78 = vector.shape_cast %get3A_77 : vector<16xi32> to vector<16xi32>
    %mul3A_79 = arith.constant 1000 : i32
    %mul3A_80 = vector.broadcast %mul3A_79 : i32 to vector<16xi32>
    %mul3A_81 = arith.muli %get3A_75, %mul3A_80 : vector<16xi32>
    %add3A_82 = arith.addi %mul3A_81, %get3A_78 : vector<16xi32>
    %swap3A_83 = arith.constant 80 : index
    %swap3A_84 = tpu.vector_load %arg6[%swap3A_83] {strides = array<i32>} : memref<512xi32, #tpu.memory_space<vmem>>, vector<16xi32>,
    %swap3A_85 = vector.shape_cast %swap3A_84 : vector<16xi32> to vector<16xi32>
    %swap3A_86 = vector.shape_cast %add3A_82 : vector<16xi32> to vector<16xi32>
    tpu.vector_store %arg6[%swap3A_83], %swap3A_86 {strides = array<i32>} : memref<512xi32, #tpu.memory_space<vmem>>, vector<16xi32>,
    %get3A_87 = arith.constant 96 : index
    %get3A_88 = tpu.vector_load %arg5[%get3A_87] {strides = array<i32>} : memref<1024xi32, #tpu.memory_space<vmem>>, vector<16xi32>,
    %get3A_89 = vector.shape_cast %get3A_88 : vector<16xi32> to vector<16xi32>
    %get3A_90 = arith.constant 224 : index
    %get3A_91 = tpu.vector_load %arg5[%get3A_90] {strides = array<i32>} : memref<1024xi32, #tpu.memory_space<vmem>>, vector<16xi32>,
    %get3A_92 = vector.shape_cast %get3A_91 : vector<16xi32> to vector<16xi32>
    %mul3A_93 = arith.constant 1000 : i32
    %mul3A_94 = vector.broadcast %mul3A_93 : i32 to vector<16xi32>
    %mul3A_95 = arith.muli %get3A_89, %mul3A_94 : vector<16xi32>
    %add3A_96 = arith.addi %mul3A_95, %get3A_92 : vector<16xi32>
    %swap3A_97 = arith.constant 96 : index
    %swap3A_98 = tpu.vector_load %arg6[%swap3A_97] {strides = array<i32>} : memref<512xi32, #tpu.memory_space<vmem>>, vector<16xi32>,
    %swap3A_99 = vector.shape_cast %swap3A_98 : vector<16xi32> to vector<16xi32>
    %swap3A_100 = vector.shape_cast %add3A_96 : vector<16xi32> to vector<16xi32>
    tpu.vector_store %arg6[%swap3A_97], %swap3A_100 {strides = array<i32>} : memref<512xi32, #tpu.memory_space<vmem>>, vector<16xi32>,
    %get3A_101 = arith.constant 112 : index
    %get3A_102 = tpu.vector_load %arg5[%get3A_101] {strides = array<i32>} : memref<1024xi32, #tpu.memory_space<vmem>>, vector<16xi32>,
    %get3A_103 = vector.shape_cast %get3A_102 : vector<16xi32> to vector<16xi32>
    %get3A_104 = arith.constant 240 : index
    %get3A_105 = tpu.vector_load %arg5[%get3A_104] {strides = array<i32>} : memref<1024xi32, #tpu.memory_space<vmem>>, vector<16xi32>,
    %get3A_106 = vector.shape_cast %get3A_105 : vector<16xi32> to vector<16xi32>
    %mul3A_107 = arith.constant 1000 : i32
    %mul3A_108 = vector.broadcast %mul3A_107 : i32 to vector<16xi32>
    %mul3A_109 = arith.muli %get3A_103, %mul3A_108 : vector<16xi32>
    %add3A_110 = arith.addi %mul3A_109, %get3A_106 : vector<16xi32>
    %swap3A_111 = arith.constant 112 : index
    %swap3A_112 = tpu.vector_load %arg6[%swap3A_111] {strides = array<i32>} : memref<512xi32, #tpu.memory_space<vmem>>, vector<16xi32>,
    %swap3A_113 = vector.shape_cast %swap3A_112 : vector<16xi32> to vector<16xi32>
    %swap3A_114 = vector.shape_cast %add3A_110 : vector<16xi32> to vector<16xi32>
    tpu.vector_store %arg6[%swap3A_111], %swap3A_114 {strides = array<i32>} : memref<512xi32, #tpu.memory_space<vmem>>, vector<16xi32>,
    %get3A_115 = arith.constant 256 : index
    %get3A_116 = tpu.vector_load %arg5[%get3A_115] {strides = array<i32>} : memref<1024xi32, #tpu.memory_space<vmem>>, vector<16xi32>,
    %get3A_117 = vector.shape_cast %get3A_116 : vector<16xi32> to vector<16xi32>
    %get3A_118 = arith.constant 384 : index
    %get3A_119 = tpu.vector_load %arg5[%get3A_118] {strides = array<i32>} : memref<1024xi32, #tpu.memory_space<vmem>>, vector<16xi32>,
    %get3A_120 = vector.shape_cast %get3A_119 : vector<16xi32> to vector<16xi32>
    %mul3A_121 = arith.constant 1000 : i32
    %mul3A_122 = vector.broadcast %mul3A_121 : i32 to vector<16xi32>
    %mul3A_123 = arith.muli %get3A_117, %mul3A_122 : vector<16xi32>
    %add3A_124 = arith.addi %mul3A_123, %get3A_120 : vector<16xi32>
    %swap3A_125 = arith.constant 128 : index
    %swap3A_126 = tpu.vector_load %arg6[%swap3A_125] {strides = array<i32>} : memref<512xi32, #tpu.memory_space<vmem>>, vector<16xi32>,
    %swap3A_127 = vector.shape_cast %swap3A_126 : vector<16xi32> to vector<16xi32>
    %swap3A_128 = vector.shape_cast %add3A_124 : vector<16xi32> to vector<16xi32>
    tpu.vector_store %arg6[%swap3A_125], %swap3A_128 {strides = array<i32>} : memref<512xi32, #tpu.memory_space<vmem>>, vector<16xi32>,
    %get3A_129 = arith.constant 272 : index
    %get3A_130 = tpu.vector_load %arg5[%get3A_129] {strides = array<i32>} : memref<1024xi32, #tpu.memory_space<vmem>>, vector<16xi32>,
    %get3A_131 = vector.shape_cast %get3A_130 : vector<16xi32> to vector<16xi32>
    %get3A_132 = arith.constant 400 : index
    %get3A_133 = tpu.vector_load %arg5[%get3A_132] {strides = array<i32>} : memref<1024xi32, #tpu.memory_space<vmem>>, vector<16xi32>,
    %get3A_134 = vector.shape_cast %get3A_133 : vector<16xi32> to vector<16xi32>
    %mul3A_135 = arith.constant 1000 : i32
    %mul3A_136 = vector.broadcast %mul3A_135 : i32 to vector<16xi32>
    %mul3A_137 = arith.muli %get3A_131, %mul3A_136 : vector<16xi32>
    %add3A_138 = arith.addi %mul3A_137, %get3A_134 : vector<16xi32>
    %swap3A_139 = arith.constant 144 : index
    %swap3A_140 = tpu.vector_load %arg6[%swap3A_139] {strides = array<i32>} : memref<512xi32, #tpu.memory_space<vmem>>, vector<16xi32>,
    %swap3A_141 = vector.shape_cast %swap3A_140 : vector<16xi32> to vector<16xi32>
    %swap3A_142 = vector.shape_cast %add3A_138 : vector<16xi32> to vector<16xi32>
    tpu.vector_store %arg6[%swap3A_139], %swap3A_142 {strides = array<i32>} : memref<512xi32, #tpu.memory_space<vmem>>, vector<16xi32>,
    %get3A_143 = arith.constant 288 : index
    %get3A_144 = tpu.vector_load %arg5[%get3A_143] {strides = array<i32>} : memref<1024xi32, #tpu.memory_space<vmem>>, vector<16xi32>,
    %get3A_145 = vector.shape_cast %get3A_144 : vector<16xi32> to vector<16xi32>
    %get3A_146 = arith.constant 416 : index
    %get3A_147 = tpu.vector_load %arg5[%get3A_146] {strides = array<i32>} : memref<1024xi32, #tpu.memory_space<vmem>>, vector<16xi32>,
    %get3A_148 = vector.shape_cast %get3A_147 : vector<16xi32> to vector<16xi32>
    %mul3A_149 = arith.constant 1000 : i32
    %mul3A_150 = vector.broadcast %mul3A_149 : i32 to vector<16xi32>
    %mul3A_151 = arith.muli %get3A_145, %mul3A_150 : vector<16xi32>
    %add3A_152 = arith.addi %mul3A_151, %get3A_148 : vector<16xi32>
    %swap3A_153 = arith.constant 160 : index
    %swap3A_154 = tpu.vector_load %arg6[%swap3A_153] {strides = array<i32>} : memref<512xi32, #tpu.memory_space<vmem>>, vector<16xi32>,
    %swap3A_155 = vector.shape_cast %swap3A_154 : vector<16xi32> to vector<16xi32>
    %swap3A_156 = vector.shape_cast %add3A_152 : vector<16xi32> to vector<16xi32>
    tpu.vector_store %arg6[%swap3A_153], %swap3A_156 {strides = array<i32>} : memref<512xi32, #tpu.memory_space<vmem>>, vector<16xi32>,
    %get3A_157 = arith.constant 304 : index
    %get3A_158 = tpu.vector_load %arg5[%get3A_157] {strides = array<i32>} : memref<1024xi32, #tpu.memory_space<vmem>>, vector<16xi32>,
    %get3A_159 = vector.shape_cast %get3A_158 : vector<16xi32> to vector<16xi32>
    %get3A_160 = arith.constant 432 : index
    %get3A_161 = tpu.vector_load %arg5[%get3A_160] {strides = array<i32>} : memref<1024xi32, #tpu.memory_space<vmem>>, vector<16xi32>,
    %get3A_162 = vector.shape_cast %get3A_161 : vector<16xi32> to vector<16xi32>
    %mul3A_163 = arith.constant 1000 : i32
    %mul3A_164 = vector.broadcast %mul3A_163 : i32 to vector<16xi32>
    %mul3A_165 = arith.muli %get3A_159, %mul3A_164 : vector<16xi32>
    %add3A_166 = arith.addi %mul3A_165, %get3A_162 : vector<16xi32>
    %swap3A_167 = arith.constant 176 : index
    %swap3A_168 = tpu.vector_load %arg6[%swap3A_167] {strides = array<i32>} : memref<512xi32, #tpu.memory_space<vmem>>, vector<16xi32>,
    %swap3A_169 = vector.shape_cast %swap3A_168 : vector<16xi32> to vector<16xi32>
    %swap3A_170 = vector.shape_cast %add3A_166 : vector<16xi32> to vector<16xi32>
    tpu.vector_store %arg6[%swap3A_167], %swap3A_170 {strides = array<i32>} : memref<512xi32, #tpu.memory_space<vmem>>, vector<16xi32>,
    %get3A_171 = arith.constant 320 : index
    %get3A_172 = tpu.vector_load %arg5[%get3A_171] {strides = array<i32>} : memref<1024xi32, #tpu.memory_space<vmem>>, vector<16xi32>,
    %get3A_173 = vector.shape_cast %get3A_172 : vector<16xi32> to vector<16xi32>
    %get3A_174 = arith.constant 448 : index
    %get3A_175 = tpu.vector_load %arg5[%get3A_174] {strides = array<i32>} : memref<1024xi32, #tpu.memory_space<vmem>>, vector<16xi32>,
    %get3A_176 = vector.shape_cast %get3A_175 : vector<16xi32> to vector<16xi32>
    %mul3A_177 = arith.constant 1000 : i32
    %mul3A_178 = vector.broadcast %mul3A_177 : i32 to vector<16xi32>
    %mul3A_179 = arith.muli %get3A_173, %mul3A_178 : vector<16xi32>
    %add3A_180 = arith.addi %mul3A_179, %get3A_176 : vector<16xi32>
    %swap3A_181 = arith.constant 192 : index
    %swap3A_182 = tpu.vector_load %arg6[%swap3A_181] {strides = array<i32>} : memref<512xi32, #tpu.memory_space<vmem>>, vector<16xi32>,
    %swap3A_183 = vector.shape_cast %swap3A_182 : vector<16xi32> to vector<16xi32>
    %swap3A_184 = vector.shape_cast %add3A_180 : vector<16xi32> to vector<16xi32>
    tpu.vector_store %arg6[%swap3A_181], %swap3A_184 {strides = array<i32>} : memref<512xi32, #tpu.memory_space<vmem>>, vector<16xi32>,
    %get3A_185 = arith.constant 336 : index
    %get3A_186 = tpu.vector_load %arg5[%get3A_185] {strides = array<i32>} : memref<1024xi32, #tpu.memory_space<vmem>>, vector<16xi32>,
    %get3A_187 = vector.shape_cast %get3A_186 : vector<16xi32> to vector<16xi32>
    %get3A_188 = arith.constant 464 : index
    %get3A_189 = tpu.vector_load %arg5[%get3A_188] {strides = array<i32>} : memref<1024xi32, #tpu.memory_space<vmem>>, vector<16xi32>,
    %get3A_190 = vector.shape_cast %get3A_189 : vector<16xi32> to vector<16xi32>
    %mul3A_191 = arith.constant 1000 : i32
    %mul3A_192 = vector.broadcast %mul3A_191 : i32 to vector<16xi32>
    %mul3A_193 = arith.muli %get3A_187, %mul3A_192 : vector<16xi32>
    %add3A_194 = arith.addi %mul3A_193, %get3A_190 : vector<16xi32>
    %swap3A_195 = arith.constant 208 : index
    %swap3A_196 = tpu.vector_load %arg6[%swap3A_195] {strides = array<i32>} : memref<512xi32, #tpu.memory_space<vmem>>, vector<16xi32>,
    %swap3A_197 = vector.shape_cast %swap3A_196 : vector<16xi32> to vector<16xi32>
    %swap3A_198 = vector.shape_cast %add3A_194 : vector<16xi32> to vector<16xi32>
    tpu.vector_store %arg6[%swap3A_195], %swap3A_198 {strides = array<i32>} : memref<512xi32, #tpu.memory_space<vmem>>, vector<16xi32>,
    %get3A_199 = arith.constant 352 : index
    %get3A_200 = tpu.vector_load %arg5[%get3A_199] {strides = array<i32>} : memref<1024xi32, #tpu.memory_space<vmem>>, vector<16xi32>,
    %get3A_201 = vector.shape_cast %get3A_200 : vector<16xi32> to vector<16xi32>
    %get3A_202 = arith.constant 480 : index
    %get3A_203 = tpu.vector_load %arg5[%get3A_202] {strides = array<i32>} : memref<1024xi32, #tpu.memory_space<vmem>>, vector<16xi32>,
    %get3A_204 = vector.shape_cast %get3A_203 : vector<16xi32> to vector<16xi32>
    %mul3A_205 = arith.constant 1000 : i32
    %mul3A_206 = vector.broadcast %mul3A_205 : i32 to vector<16xi32>
    %mul3A_207 = arith.muli %get3A_201, %mul3A_206 : vector<16xi32>
    %add3A_208 = arith.addi %mul3A_207, %get3A_204 : vector<16xi32>
    %swap3A_209 = arith.constant 224 : index
    %swap3A_210 = tpu.vector_load %arg6[%swap3A_209] {strides = array<i32>} : memref<512xi32, #tpu.memory_space<vmem>>, vector<16xi32>,
    %swap3A_211 = vector.shape_cast %swap3A_210 : vector<16xi32> to vector<16xi32>
    %swap3A_212 = vector.shape_cast %add3A_208 : vector<16xi32> to vector<16xi32>
    tpu.vector_store %arg6[%swap3A_209], %swap3A_212 {strides = array<i32>} : memref<512xi32, #tpu.memory_space<vmem>>, vector<16xi32>,
    %get3A_213 = arith.constant 368 : index
    %get3A_214 = tpu.vector_load %arg5[%get3A_213] {strides = array<i32>} : memref<1024xi32, #tpu.memory_space<vmem>>, vector<16xi32>,
    %get3A_215 = vector.shape_cast %get3A_214 : vector<16xi32> to vector<16xi32>
    %get3A_216 = arith.constant 496 : index
    %get3A_217 = tpu.vector_load %arg5[%get3A_216] {strides = array<i32>} : memref<1024xi32, #tpu.memory_space<vmem>>, vector<16xi32>,
    %get3A_218 = vector.shape_cast %get3A_217 : vector<16xi32> to vector<16xi32>
    %mul3A_219 = arith.constant 1000 : i32
    %mul3A_220 = vector.broadcast %mul3A_219 : i32 to vector<16xi32>
    %mul3A_221 = arith.muli %get3A_215, %mul3A_220 : vector<16xi32>
    %add3A_222 = arith.addi %mul3A_221, %get3A_218 : vector<16xi32>
    %swap3A_223 = arith.constant 240 : index
    %swap3A_224 = tpu.vector_load %arg6[%swap3A_223] {strides = array<i32>} : memref<512xi32, #tpu.memory_space<vmem>>, vector<16xi32>,
    %swap3A_225 = vector.shape_cast %swap3A_224 : vector<16xi32> to vector<16xi32>
    %swap3A_226 = vector.shape_cast %add3A_222 : vector<16xi32> to vector<16xi32>
    tpu.vector_store %arg6[%swap3A_223], %swap3A_226 {strides = array<i32>} : memref<512xi32, #tpu.memory_space<vmem>>, vector<16xi32>,
    %get3A_227 = arith.constant 512 : index
    %get3A_228 = tpu.vector_load %arg5[%get3A_227] {strides = array<i32>} : memref<1024xi32, #tpu.memory_space<vmem>>, vector<16xi32>,
    %get3A_229 = vector.shape_cast %get3A_228 : vector<16xi32> to vector<16xi32>
    %get3A_230 = arith.constant 640 : index
    %get3A_231 = tpu.vector_load %arg5[%get3A_230] {strides = array<i32>} : memref<1024xi32, #tpu.memory_space<vmem>>, vector<16xi32>,
    %get3A_232 = vector.shape_cast %get3A_231 : vector<16xi32> to vector<16xi32>
    %mul3A_233 = arith.constant 1000 : i32
    %mul3A_234 = vector.broadcast %mul3A_233 : i32 to vector<16xi32>
    %mul3A_235 = arith.muli %get3A_229, %mul3A_234 : vector<16xi32>
    %add3A_236 = arith.addi %mul3A_235, %get3A_232 : vector<16xi32>
    %swap3A_237 = arith.constant 256 : index
    %swap3A_238 = tpu.vector_load %arg6[%swap3A_237] {strides = array<i32>} : memref<512xi32, #tpu.memory_space<vmem>>, vector<16xi32>,
    %swap3A_239 = vector.shape_cast %swap3A_238 : vector<16xi32> to vector<16xi32>
    %swap3A_240 = vector.shape_cast %add3A_236 : vector<16xi32> to vector<16xi32>
    tpu.vector_store %arg6[%swap3A_237], %swap3A_240 {strides = array<i32>} : memref<512xi32, #tpu.memory_space<vmem>>, vector<16xi32>,
    %get3A_241 = arith.constant 528 : index
    %get3A_242 = tpu.vector_load %arg5[%get3A_241] {strides = array<i32>} : memref<1024xi32, #tpu.memory_space<vmem>>, vector<16xi32>,
    %get3A_243 = vector.shape_cast %get3A_242 : vector<16xi32> to vector<16xi32>
    %get3A_244 = arith.constant 656 : index
    %get3A_245 = tpu.vector_load %arg5[%get3A_244] {strides = array<i32>} : memref<1024xi32, #tpu.memory_space<vmem>>, vector<16xi32>,
    %get3A_246 = vector.shape_cast %get3A_245 : vector<16xi32> to vector<16xi32>
    %mul3A_247 = arith.constant 1000 : i32
    %mul3A_248 = vector.broadcast %mul3A_247 : i32 to vector<16xi32>
    %mul3A_249 = arith.muli %get3A_243, %mul3A_248 : vector<16xi32>
    %add3A_250 = arith.addi %mul3A_249, %get3A_246 : vector<16xi32>
    %swap3A_251 = arith.constant 272 : index
    %swap3A_252 = tpu.vector_load %arg6[%swap3A_251] {strides = array<i32>} : memref<512xi32, #tpu.memory_space<vmem>>, vector<16xi32>,
    %swap3A_253 = vector.shape_cast %swap3A_252 : vector<16xi32> to vector<16xi32>
    %swap3A_254 = vector.shape_cast %add3A_250 : vector<16xi32> to vector<16xi32>
    tpu.vector_store %arg6[%swap3A_251], %swap3A_254 {strides = array<i32>} : memref<512xi32, #tpu.memory_space<vmem>>, vector<16xi32>,
    %get3A_255 = arith.constant 544 : index
    %get3A_256 = tpu.vector_load %arg5[%get3A_255] {strides = array<i32>} : memref<1024xi32, #tpu.memory_space<vmem>>, vector<16xi32>,
    %get3A_257 = vector.shape_cast %get3A_256 : vector<16xi32> to vector<16xi32>
    %get3A_258 = arith.constant 672 : index
    %get3A_259 = tpu.vector_load %arg5[%get3A_258] {strides = array<i32>} : memref<1024xi32, #tpu.memory_space<vmem>>, vector<16xi32>,
    %get3A_260 = vector.shape_cast %get3A_259 : vector<16xi32> to vector<16xi32>
    %mul3A_261 = arith.constant 1000 : i32
    %mul3A_262 = vector.broadcast %mul3A_261 : i32 to vector<16xi32>
    %mul3A_263 = arith.muli %get3A_257, %mul3A_262 : vector<16xi32>
    %add3A_264 = arith.addi %mul3A_263, %get3A_260 : vector<16xi32>
    %swap3A_265 = arith.constant 288 : index
    %swap3A_266 = tpu.vector_load %arg6[%swap3A_265] {strides = array<i32>} : memref<512xi32, #tpu.memory_space<vmem>>, vector<16xi32>,
    %swap3A_267 = vector.shape_cast %swap3A_266 : vector<16xi32> to vector<16xi32>
    %swap3A_268 = vector.shape_cast %add3A_264 : vector<16xi32> to vector<16xi32>
    tpu.vector_store %arg6[%swap3A_265], %swap3A_268 {strides = array<i32>} : memref<512xi32, #tpu.memory_space<vmem>>, vector<16xi32>,
    %get3A_269 = arith.constant 560 : index
    %get3A_270 = tpu.vector_load %arg5[%get3A_269] {strides = array<i32>} : memref<1024xi32, #tpu.memory_space<vmem>>, vector<16xi32>,
    %get3A_271 = vector.shape_cast %get3A_270 : vector<16xi32> to vector<16xi32>
    %get3A_272 = arith.constant 688 : index
    %get3A_273 = tpu.vector_load %arg5[%get3A_272] {strides = array<i32>} : memref<1024xi32, #tpu.memory_space<vmem>>, vector<16xi32>,
    %get3A_274 = vector.shape_cast %get3A_273 : vector<16xi32> to vector<16xi32>
    %mul3A_275 = arith.constant 1000 : i32
    %mul3A_276 = vector.broadcast %mul3A_275 : i32 to vector<16xi32>
    %mul3A_277 = arith.muli %get3A_271, %mul3A_276 : vector<16xi32>
    %add3A_278 = arith.addi %mul3A_277, %get3A_274 : vector<16xi32>
    %swap3A_279 = arith.constant 304 : index
    %swap3A_280 = tpu.vector_load %arg6[%swap3A_279] {strides = array<i32>} : memref<512xi32, #tpu.memory_space<vmem>>, vector<16xi32>,
    %swap3A_281 = vector.shape_cast %swap3A_280 : vector<16xi32> to vector<16xi32>
    %swap3A_282 = vector.shape_cast %add3A_278 : vector<16xi32> to vector<16xi32>
    tpu.vector_store %arg6[%swap3A_279], %swap3A_282 {strides = array<i32>} : memref<512xi32, #tpu.memory_space<vmem>>, vector<16xi32>,
    %get3A_283 = arith.constant 576 : index
    %get3A_284 = tpu.vector_load %arg5[%get3A_283] {strides = array<i32>} : memref<1024xi32, #tpu.memory_space<vmem>>, vector<16xi32>,
    %get3A_285 = vector.shape_cast %get3A_284 : vector<16xi32> to vector<16xi32>
    %get3A_286 = arith.constant 704 : index
    %get3A_287 = tpu.vector_load %arg5[%get3A_286] {strides = array<i32>} : memref<1024xi32, #tpu.memory_space<vmem>>, vector<16xi32>,
    %get3A_288 = vector.shape_cast %get3A_287 : vector<16xi32> to vector<16xi32>
    %mul3A_289 = arith.constant 1000 : i32
    %mul3A_290 = vector.broadcast %mul3A_289 : i32 to vector<16xi32>
    %mul3A_291 = arith.muli %get3A_285, %mul3A_290 : vector<16xi32>
    %add3A_292 = arith.addi %mul3A_291, %get3A_288 : vector<16xi32>
    %swap3A_293 = arith.constant 320 : index
    %swap3A_294 = tpu.vector_load %arg6[%swap3A_293] {strides = array<i32>} : memref<512xi32, #tpu.memory_space<vmem>>, vector<16xi32>,
    %swap3A_295 = vector.shape_cast %swap3A_294 : vector<16xi32> to vector<16xi32>
    %swap3A_296 = vector.shape_cast %add3A_292 : vector<16xi32> to vector<16xi32>
    tpu.vector_store %arg6[%swap3A_293], %swap3A_296 {strides = array<i32>} : memref<512xi32, #tpu.memory_space<vmem>>, vector<16xi32>,
    %get3A_297 = arith.constant 592 : index
    %get3A_298 = tpu.vector_load %arg5[%get3A_297] {strides = array<i32>} : memref<1024xi32, #tpu.memory_space<vmem>>, vector<16xi32>,
    %get3A_299 = vector.shape_cast %get3A_298 : vector<16xi32> to vector<16xi32>
    %get3A_300 = arith.constant 720 : index
    %get3A_301 = tpu.vector_load %arg5[%get3A_300] {strides = array<i32>} : memref<1024xi32, #tpu.memory_space<vmem>>, vector<16xi32>,
    %get3A_302 = vector.shape_cast %get3A_301 : vector<16xi32> to vector<16xi32>
    %mul3A_303 = arith.constant 1000 : i32
    %mul3A_304 = vector.broadcast %mul3A_303 : i32 to vector<16xi32>
    %mul3A_305 = arith.muli %get3A_299, %mul3A_304 : vector<16xi32>
    %add3A_306 = arith.addi %mul3A_305, %get3A_302 : vector<16xi32>
    %swap3A_307 = arith.constant 336 : index
    %swap3A_308 = tpu.vector_load %arg6[%swap3A_307] {strides = array<i32>} : memref<512xi32, #tpu.memory_space<vmem>>, vector<16xi32>,
    %swap3A_309 = vector.shape_cast %swap3A_308 : vector<16xi32> to vector<16xi32>
    %swap3A_310 = vector.shape_cast %add3A_306 : vector<16xi32> to vector<16xi32>
    tpu.vector_store %arg6[%swap3A_307], %swap3A_310 {strides = array<i32>} : memref<512xi32, #tpu.memory_space<vmem>>, vector<16xi32>,
    %get3A_311 = arith.constant 608 : index
    %get3A_312 = tpu.vector_load %arg5[%get3A_311] {strides = array<i32>} : memref<1024xi32, #tpu.memory_space<vmem>>, vector<16xi32>,
    %get3A_313 = vector.shape_cast %get3A_312 : vector<16xi32> to vector<16xi32>
    %get3A_314 = arith.constant 736 : index
    %get3A_315 = tpu.vector_load %arg5[%get3A_314] {strides = array<i32>} : memref<1024xi32, #tpu.memory_space<vmem>>, vector<16xi32>,
    %get3A_316 = vector.shape_cast %get3A_315 : vector<16xi32> to vector<16xi32>
    %mul3A_317 = arith.constant 1000 : i32
    %mul3A_318 = vector.broadcast %mul3A_317 : i32 to vector<16xi32>
    %mul3A_319 = arith.muli %get3A_313, %mul3A_318 : vector<16xi32>
    %add3A_320 = arith.addi %mul3A_319, %get3A_316 : vector<16xi32>
    %swap3A_321 = arith.constant 352 : index
    %swap3A_322 = tpu.vector_load %arg6[%swap3A_321] {strides = array<i32>} : memref<512xi32, #tpu.memory_space<vmem>>, vector<16xi32>,
    %swap3A_323 = vector.shape_cast %swap3A_322 : vector<16xi32> to vector<16xi32>
    %swap3A_324 = vector.shape_cast %add3A_320 : vector<16xi32> to vector<16xi32>
    tpu.vector_store %arg6[%swap3A_321], %swap3A_324 {strides = array<i32>} : memref<512xi32, #tpu.memory_space<vmem>>, vector<16xi32>,
    %get3A_325 = arith.constant 624 : index
    %get3A_326 = tpu.vector_load %arg5[%get3A_325] {strides = array<i32>} : memref<1024xi32, #tpu.memory_space<vmem>>, vector<16xi32>,
    %get3A_327 = vector.shape_cast %get3A_326 : vector<16xi32> to vector<16xi32>
    %get3A_328 = arith.constant 752 : index
    %get3A_329 = tpu.vector_load %arg5[%get3A_328] {strides = array<i32>} : memref<1024xi32, #tpu.memory_space<vmem>>, vector<16xi32>,
    %get3A_330 = vector.shape_cast %get3A_329 : vector<16xi32> to vector<16xi32>
    %mul3A_331 = arith.constant 1000 : i32
    %mul3A_332 = vector.broadcast %mul3A_331 : i32 to vector<16xi32>
    %mul3A_333 = arith.muli %get3A_327, %mul3A_332 : vector<16xi32>
    %add3A_334 = arith.addi %mul3A_333, %get3A_330 : vector<16xi32>
    %swap3A_335 = arith.constant 368 : index
    %swap3A_336 = tpu.vector_load %arg6[%swap3A_335] {strides = array<i32>} : memref<512xi32, #tpu.memory_space<vmem>>, vector<16xi32>,
    %swap3A_337 = vector.shape_cast %swap3A_336 : vector<16xi32> to vector<16xi32>
    %swap3A_338 = vector.shape_cast %add3A_334 : vector<16xi32> to vector<16xi32>
    tpu.vector_store %arg6[%swap3A_335], %swap3A_338 {strides = array<i32>} : memref<512xi32, #tpu.memory_space<vmem>>, vector<16xi32>,
    %get3A_339 = arith.constant 768 : index
    %get3A_340 = tpu.vector_load %arg5[%get3A_339] {strides = array<i32>} : memref<1024xi32, #tpu.memory_space<vmem>>, vector<16xi32>,
    %get3A_341 = vector.shape_cast %get3A_340 : vector<16xi32> to vector<16xi32>
    %get3A_342 = arith.constant 896 : index
    %get3A_343 = tpu.vector_load %arg5[%get3A_342] {strides = array<i32>} : memref<1024xi32, #tpu.memory_space<vmem>>, vector<16xi32>,
    %get3A_344 = vector.shape_cast %get3A_343 : vector<16xi32> to vector<16xi32>
    %mul3A_345 = arith.constant 1000 : i32
    %mul3A_346 = vector.broadcast %mul3A_345 : i32 to vector<16xi32>
    %mul3A_347 = arith.muli %get3A_341, %mul3A_346 : vector<16xi32>
    %add3A_348 = arith.addi %mul3A_347, %get3A_344 : vector<16xi32>
    %swap3A_349 = arith.constant 384 : index
    %swap3A_350 = tpu.vector_load %arg6[%swap3A_349] {strides = array<i32>} : memref<512xi32, #tpu.memory_space<vmem>>, vector<16xi32>,
    %swap3A_351 = vector.shape_cast %swap3A_350 : vector<16xi32> to vector<16xi32>
    %swap3A_352 = vector.shape_cast %add3A_348 : vector<16xi32> to vector<16xi32>
    tpu.vector_store %arg6[%swap3A_349], %swap3A_352 {strides = array<i32>} : memref<512xi32, #tpu.memory_space<vmem>>, vector<16xi32>,
    %get3A_353 = arith.constant 784 : index
    %get3A_354 = tpu.vector_load %arg5[%get3A_353] {strides = array<i32>} : memref<1024xi32, #tpu.memory_space<vmem>>, vector<16xi32>,
    %get3A_355 = vector.shape_cast %get3A_354 : vector<16xi32> to vector<16xi32>
    %get3A_356 = arith.constant 912 : index
    %get3A_357 = tpu.vector_load %arg5[%get3A_356] {strides = array<i32>} : memref<1024xi32, #tpu.memory_space<vmem>>, vector<16xi32>,
    %get3A_358 = vector.shape_cast %get3A_357 : vector<16xi32> to vector<16xi32>
    %mul3A_359 = arith.constant 1000 : i32
    %mul3A_360 = vector.broadcast %mul3A_359 : i32 to vector<16xi32>
    %mul3A_361 = arith.muli %get3A_355, %mul3A_360 : vector<16xi32>
    %add3A_362 = arith.addi %mul3A_361, %get3A_358 : vector<16xi32>
    %swap3A_363 = arith.constant 400 : index
    %swap3A_364 = tpu.vector_load %arg6[%swap3A_363] {strides = array<i32>} : memref<512xi32, #tpu.memory_space<vmem>>, vector<16xi32>,
    %swap3A_365 = vector.shape_cast %swap3A_364 : vector<16xi32> to vector<16xi32>
    %swap3A_366 = vector.shape_cast %add3A_362 : vector<16xi32> to vector<16xi32>
    tpu.vector_store %arg6[%swap3A_363], %swap3A_366 {strides = array<i32>} : memref<512xi32, #tpu.memory_space<vmem>>, vector<16xi32>,
    %get3A_367 = arith.constant 800 : index
    %get3A_368 = tpu.vector_load %arg5[%get3A_367] {strides = array<i32>} : memref<1024xi32, #tpu.memory_space<vmem>>, vector<16xi32>,
    %get3A_369 = vector.shape_cast %get3A_368 : vector<16xi32> to vector<16xi32>
    %get3A_370 = arith.constant 928 : index
    %get3A_371 = tpu.vector_load %arg5[%get3A_370] {strides = array<i32>} : memref<1024xi32, #tpu.memory_space<vmem>>, vector<16xi32>,
    %get3A_372 = vector.shape_cast %get3A_371 : vector<16xi32> to vector<16xi32>
    %mul3A_373 = arith.constant 1000 : i32
    %mul3A_374 = vector.broadcast %mul3A_373 : i32 to vector<16xi32>
    %mul3A_375 = arith.muli %get3A_369, %mul3A_374 : vector<16xi32>
    %add3A_376 = arith.addi %mul3A_375, %get3A_372 : vector<16xi32>
    %swap3A_377 = arith.constant 416 : index
    %swap3A_378 = tpu.vector_load %arg6[%swap3A_377] {strides = array<i32>} : memref<512xi32, #tpu.memory_space<vmem>>, vector<16xi32>,
    %swap3A_379 = vector.shape_cast %swap3A_378 : vector<16xi32> to vector<16xi32>
    %swap3A_380 = vector.shape_cast %add3A_376 : vector<16xi32> to vector<16xi32>
    tpu.vector_store %arg6[%swap3A_377], %swap3A_380 {strides = array<i32>} : memref<512xi32, #tpu.memory_space<vmem>>, vector<16xi32>,
    %get3A_381 = arith.constant 816 : index
    %get3A_382 = tpu.vector_load %arg5[%get3A_381] {strides = array<i32>} : memref<1024xi32, #tpu.memory_space<vmem>>, vector<16xi32>,
    %get3A_383 = vector.shape_cast %get3A_382 : vector<16xi32> to vector<16xi32>
    %get3A_384 = arith.constant 944 : index
    %get3A_385 = tpu.vector_load %arg5[%get3A_384] {strides = array<i32>} : memref<1024xi32, #tpu.memory_space<vmem>>, vector<16xi32>,
    %get3A_386 = vector.shape_cast %get3A_385 : vector<16xi32> to vector<16xi32>
    %mul3A_387 = arith.constant 1000 : i32
    %mul3A_388 = vector.broadcast %mul3A_387 : i32 to vector<16xi32>
    %mul3A_389 = arith.muli %get3A_383, %mul3A_388 : vector<16xi32>
    %add3A_390 = arith.addi %mul3A_389, %get3A_386 : vector<16xi32>
    %swap3A_391 = arith.constant 432 : index
    %swap3A_392 = tpu.vector_load %arg6[%swap3A_391] {strides = array<i32>} : memref<512xi32, #tpu.memory_space<vmem>>, vector<16xi32>,
    %swap3A_393 = vector.shape_cast %swap3A_392 : vector<16xi32> to vector<16xi32>
    %swap3A_394 = vector.shape_cast %add3A_390 : vector<16xi32> to vector<16xi32>
    tpu.vector_store %arg6[%swap3A_391], %swap3A_394 {strides = array<i32>} : memref<512xi32, #tpu.memory_space<vmem>>, vector<16xi32>,
    %get3A_395 = arith.constant 832 : index
    %get3A_396 = tpu.vector_load %arg5[%get3A_395] {strides = array<i32>} : memref<1024xi32, #tpu.memory_space<vmem>>, vector<16xi32>,
    %get3A_397 = vector.shape_cast %get3A_396 : vector<16xi32> to vector<16xi32>
    %get3A_398 = arith.constant 960 : index
    %get3A_399 = tpu.vector_load %arg5[%get3A_398] {strides = array<i32>} : memref<1024xi32, #tpu.memory_space<vmem>>, vector<16xi32>,
    %get3A_400 = vector.shape_cast %get3A_399 : vector<16xi32> to vector<16xi32>
    %mul3A_401 = arith.constant 1000 : i32
    %mul3A_402 = vector.broadcast %mul3A_401 : i32 to vector<16xi32>
    %mul3A_403 = arith.muli %get3A_397, %mul3A_402 : vector<16xi32>
    %add3A_404 = arith.addi %mul3A_403, %get3A_400 : vector<16xi32>
    %swap3A_405 = arith.constant 448 : index
    %swap3A_406 = tpu.vector_load %arg6[%swap3A_405] {strides = array<i32>} : memref<512xi32, #tpu.memory_space<vmem>>, vector<16xi32>,
    %swap3A_407 = vector.shape_cast %swap3A_406 : vector<16xi32> to vector<16xi32>
    %swap3A_408 = vector.shape_cast %add3A_404 : vector<16xi32> to vector<16xi32>
    tpu.vector_store %arg6[%swap3A_405], %swap3A_408 {strides = array<i32>} : memref<512xi32, #tpu.memory_space<vmem>>, vector<16xi32>,
    %get3A_409 = arith.constant 848 : index
    %get3A_410 = tpu.vector_load %arg5[%get3A_409] {strides = array<i32>} : memref<1024xi32, #tpu.memory_space<vmem>>, vector<16xi32>,
    %get3A_411 = vector.shape_cast %get3A_410 : vector<16xi32> to vector<16xi32>
    %get3A_412 = arith.constant 976 : index
    %get3A_413 = tpu.vector_load %arg5[%get3A_412] {strides = array<i32>} : memref<1024xi32, #tpu.memory_space<vmem>>, vector<16xi32>,
    %get3A_414 = vector.shape_cast %get3A_413 : vector<16xi32> to vector<16xi32>
    %mul3A_415 = arith.constant 1000 : i32
    %mul3A_416 = vector.broadcast %mul3A_415 : i32 to vector<16xi32>
    %mul3A_417 = arith.muli %get3A_411, %mul3A_416 : vector<16xi32>
    %add3A_418 = arith.addi %mul3A_417, %get3A_414 : vector<16xi32>
    %swap3A_419 = arith.constant 464 : index
    %swap3A_420 = tpu.vector_load %arg6[%swap3A_419] {strides = array<i32>} : memref<512xi32, #tpu.memory_space<vmem>>, vector<16xi32>,
    %swap3A_421 = vector.shape_cast %swap3A_420 : vector<16xi32> to vector<16xi32>
    %swap3A_422 = vector.shape_cast %add3A_418 : vector<16xi32> to vector<16xi32>
    tpu.vector_store %arg6[%swap3A_419], %swap3A_422 {strides = array<i32>} : memref<512xi32, #tpu.memory_space<vmem>>, vector<16xi32>,
    %get3A_423 = arith.constant 864 : index
    %get3A_424 = tpu.vector_load %arg5[%get3A_423] {strides = array<i32>} : memref<1024xi32, #tpu.memory_space<vmem>>, vector<16xi32>,
    %get3A_425 = vector.shape_cast %get3A_424 : vector<16xi32> to vector<16xi32>
    %get3A_426 = arith.constant 992 : index
    %get3A_427 = tpu.vector_load %arg5[%get3A_426] {strides = array<i32>} : memref<1024xi32, #tpu.memory_space<vmem>>, vector<16xi32>,
    %get3A_428 = vector.shape_cast %get3A_427 : vector<16xi32> to vector<16xi32>
    %mul3A_429 = arith.constant 1000 : i32
    %mul3A_430 = vector.broadcast %mul3A_429 : i32 to vector<16xi32>
    %mul3A_431 = arith.muli %get3A_425, %mul3A_430 : vector<16xi32>
    %add3A_432 = arith.addi %mul3A_431, %get3A_428 : vector<16xi32>
    %swap3A_433 = arith.constant 480 : index
    %swap3A_434 = tpu.vector_load %arg6[%swap3A_433] {strides = array<i32>} : memref<512xi32, #tpu.memory_space<vmem>>, vector<16xi32>,
    %swap3A_435 = vector.shape_cast %swap3A_434 : vector<16xi32> to vector<16xi32>
    %swap3A_436 = vector.shape_cast %add3A_432 : vector<16xi32> to vector<16xi32>
    tpu.vector_store %arg6[%swap3A_433], %swap3A_436 {strides = array<i32>} : memref<512xi32, #tpu.memory_space<vmem>>, vector<16xi32>,
    %get3A_437 = arith.constant 880 : index
    %get3A_438 = tpu.vector_load %arg5[%get3A_437] {strides = array<i32>} : memref<1024xi32, #tpu.memory_space<vmem>>, vector<16xi32>,
    %get3A_439 = vector.shape_cast %get3A_438 : vector<16xi32> to vector<16xi32>
    %get3A_440 = arith.constant 1008 : index
    %get3A_441 = tpu.vector_load %arg5[%get3A_440] {strides = array<i32>} : memref<1024xi32, #tpu.memory_space<vmem>>, vector<16xi32>,
    %get3A_442 = vector.shape_cast %get3A_441 : vector<16xi32> to vector<16xi32>
    %mul3A_443 = arith.constant 1000 : i32
    %mul3A_444 = vector.broadcast %mul3A_443 : i32 to vector<16xi32>
    %mul3A_445 = arith.muli %get3A_439, %mul3A_444 : vector<16xi32>
    %add3A_446 = arith.addi %mul3A_445, %get3A_442 : vector<16xi32>
    %swap3A_447 = arith.constant 496 : index
    %swap3A_448 = tpu.vector_load %arg6[%swap3A_447] {strides = array<i32>} : memref<512xi32, #tpu.memory_space<vmem>>, vector<16xi32>,
    %swap3A_449 = vector.shape_cast %swap3A_448 : vector<16xi32> to vector<16xi32>
    %swap3A_450 = vector.shape_cast %add3A_446 : vector<16xi32> to vector<16xi32>
    tpu.vector_store %arg6[%swap3A_447], %swap3A_450 {strides = array<i32>} : memref<512xi32, #tpu.memory_space<vmem>>, vector<16xi32>,
    %dma_start3A = arith.constant 0 : i32
    %dma_start3A_451 = tpu.memref_slice %arg3[%dma_start3A] : memref<1000000xf32, #tpu.memory_space<hbm>> -> memref<1000000xf32, #tpu.memory_space<hbm>>
    tpu.enqueue_indirect_dma source(%dma_start3A_451 : memref<1000000xf32, #tpu.memory_space<hbm>>) target(%arg7 : memref<512xf32, #tpu.memory_space<vmem>>) offsets(%arg6 : memref<512xi32, #tpu.memory_space<vmem>>) semaphore(%arg8 : memref<!tpu.dma_semaphore, #tpu.memory_space<semaphore_mem>>)
    %dma_wait3A = arith.constant 0 : i32
    %dma_wait3A_452 = tpu.memref_slice %arg3[%dma_wait3A] : memref<1000000xf32, #tpu.memory_space<hbm>> -> memref<1000000xf32, #tpu.memory_space<hbm>>
    tpu.wait_indirect_dma semaphore(%arg8 : memref<!tpu.dma_semaphore, #tpu.memory_space<semaphore_mem>>) src(%dma_wait3A_452 : memref<1000000xf32, #tpu.memory_space<hbm>>) dst(%arg7 : memref<512xf32, #tpu.memory_space<vmem>>)
    "tpu.region"() ({
      %run_scoped3A = tpu.sem_alloc : memref<!tpu.dma_semaphore, #tpu.memory_space<semaphore_mem>>
      %dma_start3A_453 = tpu.memref_slice %arg4[%mul3A_2] : memref<16384xf32, #tpu.memory_space<hbm>> -> memref<512xf32, #tpu.memory_space<hbm>>
      %dma_start3A_454 = tpu.memref_slice %arg4[%mul3A_2] : memref<16384xf32, #tpu.memory_space<hbm>> -> memref<512xf32, #tpu.memory_space<hbm>>
      tpu.enqueue_dma source(%arg7 : memref<512xf32, #tpu.memory_space<vmem>>) target(%dma_start3A_454 : memref<512xf32, #tpu.memory_space<hbm>>) target_semaphore(%run_scoped3A : memref<!tpu.dma_semaphore, #tpu.memory_space<semaphore_mem>>)
      %dma_wait3A_455 = tpu.memref_slice %arg4[%mul3A_2] : memref<16384xf32, #tpu.memory_space<hbm>> -> memref<512xf32, #tpu.memory_space<hbm>>
      %dma_wait3A_456 = tpu.memref_slice %arg4[%mul3A_2] : memref<16384xf32, #tpu.memory_space<hbm>> -> memref<512xf32, #tpu.memory_space<hbm>>
      tpu.wait_dma2 semaphore(%run_scoped3A : memref<!tpu.dma_semaphore, #tpu.memory_space<semaphore_mem>>) src(%arg7 : memref<512xf32, #tpu.memory_space<vmem>>) dst(%dma_wait3A_456 : memref<512xf32, #tpu.memory_space<hbm>>)
      tpu.yield
    }) : () -> ()
    return
  }
}

</mosaic_0001>

<sc_bundles>
// kernel: kernel.3.cloned.1.call-start
scs
__scs_entry_jumppad:
0x0: {  	(pc) =	sbr.rel $0x88, $3  }
0x1: {  	(tag) =	ssettag $0x0;
	lr =	simm.s32 $0x1  }
0x2: {  	[smem:$0x3F9F] =	sst lr;
	_ =	strace $0xD0000000  }
0x3: {  	_ = 	snop  }
0x4: {  	_ = 	snop  }
0x5: {  	_ = 	snop  }
0x6: {  	_ = 	snop  }
0x7: {  	_ = 	snop  }
__scs_overlays_trampoline_lowered:
0x8: {  	[smem:$0x3FAE] =	sst s0  }
0x9: {  	[smem:$0x3FAF] =	sst s1  }
0xa: {  	[smem:$0x3FB0] =	sst s2  }
0xb: {  	[smem:$0x3FB1] =	sst s3  }
0xc: {  	[smem:$0x3FB2] =	sst s4  }
0xd: {  	[smem:$0x3FB3] =	sst s5  }
0xe: {  	[smem:$0x3FB4] =	sst s6  }
0xf: {  	[smem:$0x3FB5] =	sst s7  }
0x10: {  	[smem:$0x3FB6] =	sst s8  }
0x11: {  	[smem:$0x3FB7] =	sst s9;
	s0 =	simm.s32 @!p0 $0x0  }
0x12: {  	s1 =	sld [smem:$0x3F9D];
	s0 =	simm.s32 @p0 $0x1  }
0x13: {  	[smem:$0x3FB8] =	sst s0;
	s0 =	simm.s32 @!p1 $0x0  }
0x14: {  	s2 =	sld [smem:$0x3F9C];
	s0 =	simm.s32 @p1 $0x1  }
0x15: {  	[smem:$0x3FB9] =	sst s0;
	s0 =	simm.s32 @!p2 $0x0  }
0x16: {  	s3 =	sld [smem:$0x3FDB];
	s0 =	simm.s32 @p2 $0x1  }
0x17: {  	s4 =	simm.s32 $0x1BF5;
	[smem:$0x3FBB] =	sst s0  }
0x18: {  	s0 =	sld [smem:$0x3F9E];
	_ =	swait.ge [sflag:s4], $0x0  }
0x19: {  	s7 =	sld [smem:$0x3F9F]  }
0x1a: {  	s8 =	sadd.s32 $0xFFFFE003, lr  }
0x1b: {  	s9 =	sadd.s32 $0xFFFFFEF7, lr;
	s5 =	simm.s32 $0xFFFFFFFF;
	p2 =	slt.u32 s8, $0xFFFFF086  }
0x1c: {  	p1 =	slt.u32 s9, $0xF7A;
	s5 =	simm.s32 @!p2 $0x0  }
0x1d: {  	s5 =	simm.s32 @p1 $0x1;
	p0 =	seq.s32 s7, s2  }
0x1e: {  	s7 =	smul.u32 @!p0 $0xF7A, s2;
	p2 =	seq.s32 @!p0 s5, $0x0  }
0x1f: {  	s9 =	smul.u32 $0xF7A, s1;
	s8 =	simm.s32 @!p0 $0x1BF5;
	p2 =	por !p2, p0  }
0x20: {  	[sflag:s8] =	ssyncset.s32 @!p0 $0xFFFFF086;
	s6 =	sadd.s32 @!p0 s3, s7;
	s7 =	simm.s32 @!p0 $0x108  }
0x21: {  	s3 =	sadd.s32 s3, s9;
	s6 =	sadd.s32 @!p0 $0x88, s6;
	s7 =	simm.s32 @p2 $0x1082  }
0x22: {  	[simem:s7], [sflag:s8] =	dma.local @!p0 [hbm:s6], $0xF7A  }
0x23: {  	s9 =	sor.u32 $0xD0000000, s2;
	s6 =	simm.s32 $0x108;
	_ =	swait.ge @!p0 [sflag:s8], $0x0  }
0x24: {  	s3 =	sadd.s32 $0x88, s3;
	s6 =	simm.s32 @!p1 $0x1082;
	[sflag:s4] =	ssyncset.s32 $0xFFFFF086  }
0x25: {  	[simem:s6], [sflag:s4] =	dma.local [hbm:s3], $0xF7A  }
0x26: {  	[smem:$0x3F9F] =	sst s1;
	(tag) =	ssettag s2;
	_ =	strace s9  }
0x27: {  	s1 =	sld [smem:$0x3FAF]  }
0x28: {  	s2 =	sld [smem:$0x3FB0]  }
0x29: {  	s4 =	sld [smem:$0x3FB2]  }
0x2a: {  	p0 =	seq.s32 s5, $0x0;
	s5 =	sld [smem:$0x3FB3]  }
0x2b: {  	s6 =	sld [smem:$0x3FB4]  }
0x2c: {  	s7 =	sld [smem:$0x3FB5]  }
0x2d: {  	s3 =	simm.s32 $0x108;
	s8 =	sld [smem:$0x3FB6]  }
0x2e: {  	s3 =	simm.s32 @!p0 $0x1082;
	s9 =	sld [smem:$0x3FB7]  }
0x2f: {  	lr =	sadd.s32 s0, s3;
	s0 =	sld [smem:$0x3FAE]  }
0x30: {  	s3 =	sld [smem:$0x3FB1]  }
0x31: {  	[smem:$0x3FBA] =	sst s10  }
0x32: {  	s10 =	sld [smem:$0x3FB8];
	_ =	sdelay $0x3  }
0x33: {  	p0 =	seq.s32 s10, $0x1;
	s10 =	sld [smem:$0x3FBA];
	_ =	sdelay $0x3  }
0x34: {  	[smem:$0x3FBA] =	sst s10  }
0x35: {  	s10 =	sld [smem:$0x3FB9];
	_ =	sdelay $0x3  }
0x36: {  	p1 =	seq.s32 s10, $0x1;
	s10 =	sld [smem:$0x3FBA];
	_ =	sdelay $0x3  }
0x37: {  	[smem:$0x3FBA] =	sst s10  }
0x38: {  	s10 =	sld [smem:$0x3FBB]  }
0x39: {  	_ = 	snop;
	(pc) =	sbr.ind lr, $3  }
0x3a: {  	_ = 	snop  }
0x3b: {  	_ = 	snop  }
0x3c: {  	p2 =	seq.s32 s10, $0x1;
	s10 =	sld [smem:$0x3FBA]  }
0x3d: {  	_ =	shalt  }
0x3e: {  	_ =	shalt  }
0x3f: {  	_ =	shalt  }
0x40: {  	_ =	shalt  }
0x41: {  	_ =	shalt  }
0x42: {  	_ =	shalt  }
0x43: {  	_ =	shalt  }
0x44: {  	_ =	shalt  }
0x45: {  	_ =	shalt  }
0x46: {  	_ =	shalt  }
0x47: {  	_ =	shalt  }
0x48: {  	_ =	shalt  }
0x49: {  	_ =	shalt  }
0x4a: {  	_ =	shalt  }
0x4b: {  	_ =	shalt  }
0x4c: {  	_ =	shalt  }
0x4d: {  	_ =	shalt  }
0x4e: {  	_ =	shalt  }
0x4f: {  	_ =	shalt  }
0x50: {  	_ =	shalt  }
0x51: {  	_ =	shalt  }
0x52: {  	_ =	shalt  }
0x53: {  	_ =	shalt  }
0x54: {  	_ =	shalt  }
0x55: {  	_ =	shalt  }
0x56: {  	_ =	shalt  }
0x57: {  	_ =	shalt  }
0x58: {  	_ =	shalt  }
0x59: {  	_ =	shalt  }
0x5a: {  	_ =	shalt  }
0x5b: {  	_ =	shalt  }
0x5c: {  	_ =	shalt  }
0x5d: {  	_ =	shalt  }
0x5e: {  	_ =	shalt  }
0x5f: {  	_ =	shalt  }
0x60: {  	_ =	shalt  }
0x61: {  	_ =	shalt  }
0x62: {  	_ =	shalt  }
0x63: {  	_ =	shalt  }
0x64: {  	_ =	shalt  }
0x65: {  	_ =	shalt  }
0x66: {  	_ =	shalt  }
0x67: {  	_ =	shalt  }
0x68: {  	_ =	shalt  }
0x69: {  	_ =	shalt  }
0x6a: {  	_ =	shalt  }
0x6b: {  	_ =	shalt  }
0x6c: {  	_ =	shalt  }
0x6d: {  	_ =	shalt  }
0x6e: {  	_ =	shalt  }
0x6f: {  	_ =	shalt  }
0x70: {  	_ =	shalt  }
0x71: {  	_ =	shalt  }
0x72: {  	_ =	shalt  }
0x73: {  	_ =	shalt  }
0x74: {  	_ =	shalt  }
0x75: {  	_ =	shalt  }
0x76: {  	_ =	shalt  }
0x77: {  	_ =	shalt  }
0x78: {  	_ =	shalt  }
0x79: {  	_ =	shalt  }
0x7a: {  	_ =	shalt  }
0x7b: {  	_ =	shalt  }
0x7c: {  	_ =	shalt  }
0x7d: {  	_ =	shalt  }
0x7e: {  	_ =	shalt  }
0x7f: {  	_ =	shalt  }
0x80: {  	_ =	shalt  }
0x81: {  	_ =	shalt  }
0x82: {  	_ =	shalt  }
0x83: {  	_ =	shalt  }
0x84: {  	_ =	shalt  }
0x85: {  	_ =	shalt  }
0x86: {  	_ =	shalt  }
0x87: {  	_ =	shalt  }
.Lfunc_end0:
.L_simem_size_0:
called_computation_lowered:
.L_overlay_start_0:
0x88: {  	s2 =	sld [smem:$0x3FD9]  }
0x89: {  	s3 =	sld [smem:$0x3FFE];
	_ =	sdelay $0x1  }
0x8a: {  	s1 =	srdreg.scid  }
0x8b: {  	s0 =	sand.u32 $0x1, s1  }
0x8c: {  	s17 =	sshll.u32 s0, $0xA;
	s2 =	sadd.s32 s3, s2  }
0x8d: {  	s2 =	sadd.s32 s2, s17  }
0x8e: {  	[smem:$0x3FC6] =	sst s2  }
0x8f: {  	_ = 	snop  }
0x90: {  	s2 =	sld [smem:$0x3FC9]  }
0x91: {  	s18 =	sld [smem:$0x3FD0];
	(tm) =	ssettm $0x1  }
0x92: {  	s4 =	sld [smem:$0x3FFB];
	_ =	sdelay $0x3  }
0x93: {  	_ =	strace s4  }
0x94: {  	s4 =	sld [smem:$0x3FFC];
	_ =	sdelay $0x3  }
0x95: {  	_ =	strace s4  }
0x96: {  	s4 =	sld [smem:$0x3FFD];
	_ =	sdelay $0x3  }
0x97: {  	_ =	strace s4  }
0x98: {  	_ =	strace $0x8FFFFFFF  }
0x99: {  	s19 =	sld [smem:$0x3FDB];
	_ =	sdelay $0x1  }
0x9a: {  	s5 =	simm.s32 $_scs_section_size  }
0x9b: {  	s6 =	simm.s32 $_size__tile_overlayer_lowered;
	s7 =	simm.s32 $_tile_overlayer_lowered  }
0x9c: {  	s22 =	simm.s32 $0x1BFF;
	s21 =	sshll.u32 s7, $0x1;
	s4 =	sadd.s32 s5, s19  }
0x9d: {  	s8 =	simm.s32 $0x0;
	s20 =	sshll.u32 s6, $0x1;
	s6 =	sadd.s32 s21, s4  }
0x9e: {  	[timem:s8], [sflag:s22] =	dma.local [hbm:s6], s20  }
0x9f: {  	_ =	swait.ge [sflag:s22], s20  }
0xa0: {  	s5 =	ssub.s32 $0x0, s20;
	[sflag:s22] =	ssyncset.done $0x0  }
0xa1: {  	[sflag:s22] =	ssyncadd.s32 s5;
	_ =	sdelay $0x1  }
0xa2: {  	s23 =	simm.s32 $0x1B8B  }
0xa3: {  	_ =	swait.ge [sflag:s23], $0x1  }
0xa4: {  	[sflag:s23] =	ssyncset.done $0x0  }
0xa5: {  	s25 =	simm.s32 $0x1B8E;
	s24 =	sld [smem:$0x3FFE];
	[sflag:s23] =	ssyncadd.s32 $0xFFFFFFFF  }
0xa6: {  	s26 =	simm.s32 $execute0_lowered;
	[smem:$0x3FD2] =	sst s25  }
0xa7: {  	s6 =	sshll.u32 s26, $0x1;
	_ =	strace $0x80000046;
	[dreg:$0x1] =	wrdreg $0xFFFFFFFF  }
0xa8: {  	s28 =	simm.s32 $_size_execute0_lowered;
	s4 =	sadd.s32 s4, s6;
	[dreg:$0x0] =	wrdreg $0x0  }
0xa9: {  	s6 =	sshll.u32 s28, $0x1;
	[dreg:$0x2] =	wrdreg s4  }
0xaa: {  	[dreg:$0x3] =	wrdreg s6  }
0xab: {  	[dreg:$0x4] =	wrdreg $0xC0  }
0xac: {  	_ =	task [dreg:s8], $0x5FFFF  }
0xad: {  	[dreg:$0x1] =	wrdreg $0xFFFFFFFF  }
0xae: {  	[dreg:$0x0] =	wrdreg $0x60  }
0xaf: {  	[dreg:$0x2] =	wrdreg s2  }
0xb0: {  	[dreg:$0x3] =	wrdreg s24  }
0xb1: {  	[dreg:$0x4] =	wrdreg s18  }
0xb2: {  	[dreg:$0x5] =	wrdreg $0x9  }
0xb3: {  	_ =	task.clear_ibuf [dreg:s8], $0x6FFFF;
	_ =	strace $0x90000046  }
0xb4: {  	s29 =	simm.s32 $0x9;
	_ =	strace $0x80000048  }
0xb5: {  	_ =	swait.ge [sflag:s29], $0x1  }
0xb6: {  	[sflag:s29] =	ssyncadd.s32 $0xFFFFFFFF  }
0xb7: {  	_ =	strace $0x90000048  }
0xb8: {  	_ =	sfence  }
0xb9: {  	s30 =	sld [smem:$0x0];
	_ =	sdelay $0x2  }
0xba: {  	s31 =	sshll.u32 s1, $0xD;
	s1 =	sshrl.u32 s1, $0x2  }
0xbb: {  	s3 =	sand.u32 $0x4000, s31;
	s1 =	sadd.s32 s1, s30  }
0xbc: {  	s0 =	sor.u32 s3, s0;
	s1 =	sshll.u32 s1, $0x11  }
0xbd: {  	s0 =	sor.u32 s1, s0  }
0xbe: {  	s0 =	sadd.s32 $0x8F2B, s0  }
0xbf: {  	[sflag:s0] =	ssyncadd.remote.s32 $0x1  }
0xc0: {  	_ =	sfence.sel $0xFFFF  }
0xc1: {  	[dreg:$0x0] =	wrdreg $0xFFFFFFFF;
	(pc) =	sbr.abs _section_cstart, $3  }
0xc2: {  	[dreg:$0x1] =	wrdreg $0xFFFFFFFF  }
0xc3: {  	_ =	task.clear_ibuf [dreg:s8], $0x2FFFF;
	_ =	strace $0x9FFFFFFF  }
0xc4: {  	(tm) =	ssettm $0x7FFFFFFF  }
0xc5: {  	_ =	shalt  }
tec
execute0_lowered:
.L_overlay_start_1:
0x0: {  	(tag) =	ssettag $0x1  }
0x1: {  	s4 =	rddreg [dreg:$0x0]  }
0x2: {  	s1 =	rddreg [dreg:$0x1]  }
0x3: {  	s5 =	rddreg [dreg:$0x2]  }
0x4: {  	s0 =	rddreg [dreg:$0x3]  }
0x5: {  	s3 =	simm.s32 $0x0;
	s6 =	srdreg.scid;
	s2 =	stileid.u32  }
0x6: {  	s10 =	simm.s32 $0x600;
	s11 =	simm.s32 $0x1;
	s6 =	sand.u32 $0x1, s6  }
0x7: {  	[smem:$0x7FF] =	sst s3;
	s7 =	sshll.u32 s2, $0x1;
	s8 =	ssub.s32 $0x2, s6  }
0x8: {  	_ =	strace $0x80000047;
	s6 =	sor.u32 s6, s7;
	s31 =	sshrl.u32 s8, $0x1  }
0x9: {  	s9 =	sshll.u32 s6, $0x7;
	s6 =	sshll.u32 s6, $0x6;
	s7 =	ssub.s32 s8, s31  }
0xa: {  	s4 =	sadd.s32 s4, s9;
	s5 =	sadd.s32 s5, s6;
	s8 =	simm.s32 $0x200  }
0xb: {  	s9 =	simm.s32 $0x400;
	s6 =	smax.u32 s7, $0x1;
	s7 =	simm.s32 $0x2  }
.LBB2_1:
0xc: {  	[tilespmem:s3], [sflag:$0x2] =	stream.linear.gather [hbm4b:s4+s3], $0x400, $0x38;
	[tilespmem:$0x800] =	vst v63  }
0xd: {  	_ =	swait.ge [sflag:s7], $0x400  }
0xe: {  	[sflag:s7] =	ssyncset.done $0x0  }
0xf: {  	[sflag:s7] =	ssyncadd.s32 $0xFFFFFC00  }
0x10: {  	v0 =	vld [tilespmem:$0x0]  }
0x11: {  	v1 =	vld [tilespmem:$0x80]  }
0x12: {  	v2 =	vld [tilespmem:$0x10]  }
0x13: {  	v3 =	vld [tilespmem:$0x90]  }
0x14: {  	v4 =	vld [tilespmem:$0x20]  }
0x15: {  	v5 =	vld [tilespmem:$0xA0]  }
0x16: {  	v6 =	vld [tilespmem:$0x30]  }
0x17: {  	v7 =	vld [tilespmem:$0xB0]  }
0x18: {  	v8 =	vld [tilespmem:$0x40]  }
0x19: {  	v9 =	vld [tilespmem:$0xC0]  }
0x1a: {  	v10 =	vld [tilespmem:$0x50]  }
0x1b: {  	v11 =	vld [tilespmem:$0xD0]  }
0x1c: {  	v12 =	vld [tilespmem:$0x60]  }
0x1d: {  	v13 =	vld [tilespmem:$0xE0]  }
0x1e: {  	v14 =	vld [tilespmem:$0x70]  }
0x1f: {  	v15 =	vld [tilespmem:$0xF0]  }
0x20: {  	v16 =	vld [tilespmem:$0x100]  }
0x21: {  	v17 =	vld [tilespmem:$0x180]  }
0x22: {  	v18 =	vld [tilespmem:$0x110]  }
0x23: {  	v19 =	vld [tilespmem:$0x190]  }
0x24: {  	v20 =	vld [tilespmem:$0x120]  }
0x25: {  	v21 =	vld [tilespmem:$0x1A0]  }
0x26: {  	v22 =	vld [tilespmem:$0x130]  }
0x27: {  	v23 =	vld [tilespmem:$0x1B0]  }
0x28: {  	v24 =	vld [tilespmem:$0x140]  }
0x29: {  	v25 =	vld [tilespmem:$0x1C0]  }
0x2a: {  	v26 =	vld [tilespmem:$0x150]  }
0x2b: {  	v27 =	vld [tilespmem:$0x1D0]  }
0x2c: {  	v28 =	vld [tilespmem:$0x160]  }
0x2d: {  	v29 =	vld [tilespmem:$0x1E0]  }
0x2e: {  	v30 =	vld [tilespmem:$0x170]  }
0x2f: {  	v31 =	vld [tilespmem:$0x1F0]  }
0x30: {  	v32 =	vld [tilespmem:$0x200]  }
0x31: {  	v33 =	vld [tilespmem:$0x280]  }
0x32: {  	v34 =	vld [tilespmem:$0x210]  }
0x33: {  	v35 =	vld [tilespmem:$0x290];
	v0 =	vmul.u32 $0x3E8, v0  }
0x34: {  	v36 =	vld [tilespmem:$0x220];
	v2 =	vmul.u32 $0x3E8, v2  }
0x35: {  	v38 =	vld [tilespmem:$0x2D0];
	v54 =	vmul.u32 $0x3E8, v4;
	v0 =	vadd.s32 v1, v0  }
0x36: {  	v41 =	vld [tilespmem:$0x260];
	v56 =	vmul.u32 $0x3E8, v6;
	v55 =	vadd.s32 v3, v2;
	[tilespmem:$0x400] =	vst v0  }
0x37: {  	v44 =	vld [tilespmem:$0x2E0];
	v58 =	vmul.u32 $0x3E8, v8;
	v57 =	vadd.s32 v5, v54;
	[tilespmem:$0x410] =	vst v55  }
0x38: {  	v47 =	vld [tilespmem:$0x270];
	v60 =	vmul.u32 $0x3E8, v10;
	v59 =	vadd.s32 v7, v56;
	[tilespmem:$0x420] =	vst v57  }
0x39: {  	v50 =	vld [tilespmem:$0x2F0];
	v62 =	vmul.u32 $0x3E8, v12;
	v61 =	vadd.s32 v9, v58;
	[tilespmem:$0x430] =	vst v59  }
0x3a: {  	v53 =	vld [tilespmem:$0x300];
	v12 =	vmul.u32 $0x3E8, v14;
	v63 =	vadd.s32 v11, v60;
	[tilespmem:$0x440] =	vst v61  }
0x3b: {  	v4 =	vld [tilespmem:$0x2A0];
	v37 =	vmul.u32 $0x3E8, v16;
	v14 =	vadd.s32 v13, v62;
	[tilespmem:$0x450] =	vst v63  }
0x3c: {  	v6 =	vld [tilespmem:$0x240];
	v40 =	vmul.u32 $0x3E8, v18;
	v39 =	vadd.s32 v15, v12;
	[tilespmem:$0x460] =	vst v14  }
0x3d: {  	v8 =	vld [tilespmem:$0x250];
	v43 =	vmul.u32 $0x3E8, v20;
	v42 =	vadd.s32 v17, v37;
	[tilespmem:$0x470] =	vst v39  }
0x3e: {  	v46 =	vmul.u32 $0x3E8, v22;
	v22 =	vld [tilespmem:$0x320];
	v45 =	vadd.s32 v19, v40;
	[tilespmem:$0x480] =	vst v42  }
0x3f: {  	v49 =	vmul.u32 $0x3E8, v24;
	v3 =	vld [tilespmem:$0x230];
	v48 =	vadd.s32 v21, v43;
	[tilespmem:$0x490] =	vst v45  }
0x40: {  	v24 =	vmul.u32 $0x3E8, v36;
	v36 =	vmul.u32 $0x3E8, v41;
	v5 =	vld [tilespmem:$0x2B0];
	v51 =	vadd.s32 v23, v46;
	[tilespmem:$0x4A0] =	vst v48  }
0x41: {  	v52 =	vmul.u32 $0x3E8, v26;
	v7 =	vld [tilespmem:$0x2C0];
	v54 =	vadd.s32 v25, v49;
	[tilespmem:$0x4B0] =	vst v51  }
0x42: {  	v56 =	vld [tilespmem:$0x380];
	v58 =	vmul.u32 $0x3E8, v30;
	v41 =	vadd.s32 v44, v36;
	[tilespmem:$0x4C0] =	vst v54  }
0x43: {  	v62 =	vld [tilespmem:$0x390];
	v21 =	vmul.u32 $0x3E8, v34;
	v57 =	vadd.s32 v27, v52;
	[tilespmem:$0x560] =	vst v41  }
0x44: {  	v25 =	vld [tilespmem:$0x3A0];
	v55 =	vmul.u32 $0x3E8, v28;
	[tilespmem:$0x4D0] =	vst v57;
	v63 =	vadd.s32 v31, v58  }
0x45: {  	v34 =	vld [tilespmem:$0x340];
	v61 =	vmul.u32 $0x3E8, v32;
	v26 =	vadd.s32 v35, v21;
	[tilespmem:$0x4F0] =	vst v63  }
0x46: {  	v37 =	vld [tilespmem:$0x3C0];
	v60 =	vadd.s32 v29, v55;
	[tilespmem:$0x510] =	vst v26  }
0x47: {  	v40 =	vld [tilespmem:$0x350];
	v39 =	vmul.u32 $0x3E8, v47;
	v23 =	vadd.s32 v33, v61;
	[tilespmem:$0x4E0] =	vst v60  }
0x48: {  	v43 =	vld [tilespmem:$0x3D0];
	v29 =	vadd.s32 v4, v24;
	v30 =	vmul.u32 $0x3E8, v6;
	[tilespmem:$0x500] =	vst v23  }
0x49: {  	v46 =	vld [tilespmem:$0x360];
	v33 =	vmul.u32 $0x3E8, v8;
	v44 =	vadd.s32 v50, v39;
	[tilespmem:$0x520] =	vst v29  }
0x4a: {  	v59 =	vld [tilespmem:$0x310];
	v42 =	vmul.u32 $0x3E8, v53;
	[tilespmem:$0x570] =	vst v44;
	v35 =	vadd.s32 v7, v30  }
0x4b: {  	v28 =	vld [tilespmem:$0x330];
	v48 =	vmul.u32 $0x3E8, v22;
	v38 =	vadd.s32 v38, v33;
	[tilespmem:$0x540] =	vst v35  }
0x4c: {  	v49 =	vld [tilespmem:$0x370];
	v27 =	vmul.u32 $0x3E8, v3;
	v47 =	vadd.s32 v56, v42;
	[tilespmem:$0x550] =	vst v38  }
0x4d: {  	v31 =	vld [tilespmem:$0x3B0];
	v53 =	vadd.s32 v25, v48;
	v54 =	vmul.u32 $0x3E8, v34;
	[tilespmem:$0x580] =	vst v47  }
0x4e: {  	v52 =	vld [tilespmem:$0x3E0];
	v57 =	vmul.u32 $0x3E8, v40;
	[tilespmem:$0x5A0] =	vst v53;
	v32 =	vadd.s32 v5, v27  }
0x4f: {  	v55 =	vld [tilespmem:$0x3F0];
	v45 =	vmul.u32 $0x3E8, v59;
	v58 =	vadd.s32 v37, v54;
	[tilespmem:$0x530] =	vst v32  }
0x50: {  	v51 =	vmul.u32 $0x3E8, v28;
	v60 =	vadd.s32 v43, v57;
	[tilespmem:$0x5C0] =	vst v58  }
0x51: {  	v59 =	vmul.u32 $0x3E8, v46;
	v50 =	vadd.s32 v62, v45;
	[tilespmem:$0x5D0] =	vst v60  }
0x52: {  	v61 =	vmul.u32 $0x3E8, v49;
	v56 =	vadd.s32 v31, v51;
	[tilespmem:$0x590] =	vst v50  }
0x53: {  	v62 =	vadd.s32 v52, v59;
	[tilespmem:$0x5B0] =	vst v56  }
0x54: {  	v63 =	vadd.s32 v55, v61;
	[tilespmem:$0x5E0] =	vst v62  }
0x55: {  	[tilespmem:$0x5F0] =	vst v63  }
0x56: {  	[tilespmem:s10], [sflag:$0x1] =	stream.indirect.gather [hbm4b:s1+s8], $0x1, s9, s8, $0xb8;
	[tilespmem:$0x800] =	vst v63  }
0x57: {  	_ =	swait.ge [sflag:s11], $0x200  }
0x58: {  	p0 =	sne.s32 s6, $0x1;
	[sflag:s11] =	ssyncset.done $0x0  }
.Ltmp0:
0x59: {  	[sflag:s11] =	ssyncadd.s32 $0xFFFFFE00;
	(pc) =	sbr.rel @p0 .LBB2_1-.Ltmp0, $4  }
0x5a: {  	[hbm4b:s5+s3] =	stream.linear.scatter [tilespmem:s10], [sflag:$0x2], $0x200, $0x38;
	[tilespmem:$0x800] =	vst v63  }
0x5b: {  	_ =	swait.ge [sflag:s7], $0x200  }
0x5c: {  	[sflag:s7] =	ssyncset.done $0x0  }
0x5d: {  	s6 =	sadd.s32 $0xFFFFFFFF, s6;
	[sflag:s7] =	ssyncadd.s32 $0xFFFFFE00  }
0x5e: {  	_ =	sfence.sel $0x180000  }
0x5f: {  	[bflag:$0x0] =	sbarrier.arrive $0xFFFF  }
0x60: {  	p0 =	sne.s32 s2, $0x0;
	_ =	strace $0x90000047  }
0x61: {  	s0 =	sadd.s32 @!p0 $0x100000, s0;
	[bflag:$0x2] =	sbarrier.arrive $0xFFFF  }
0x62: {  	[sflag:s0] =	ssyncadd.tile.s32 @!p0 $0x1;
	_ =	shalt  }
.Lfunc_end2:
_tile_overlayer_lowered:
.L_overlay_start_2:
0x63: {  	(tag) =	ssettag $0x2  }
0x64: {  	s0 =	rddreg [dreg:$0x0];
	s2 =	stileid.u32  }
0x65: {  	s1 =	rddreg [dreg:$0x1];
	p0 =	sne.s32 s2, $0x0  }
0x66: {  	s3 =	rddreg [dreg:$0x2];
	[bflag:$0x3] =	sbarrier.arrive $0xFFFF;
	s2 =	simm.s32 @!p0 $0x1C02  }
0x67: {  	[timem:s3], [sflag:s2] =	dma.local @!p0 [hbm:s0], s1  }
0x68: {  	s0 =	simm.s32 @!p0 $0x2  }
0x69: {  	_ =	swait.ge @!p0 [sflag:s0], s1  }
0x6a: {  	s1 =	ssub.s32 @!p0 $0x0, s1;
	[sflag:s0] =	ssyncset.done @!p0 $0x0  }
0x6b: {  	[sflag:s0] =	ssyncadd.s32 @!p0 s1  }
0x6c: {  	[bflag:$0x3] =	sbarrier.arrive $0xFFFF  }
0x6d: {  	_ =	shalt  }

</sc_bundles>
